<compile_context>
chip_gen: v7x
topology: tpu7x:2x2x1
jax: 0.10.2.dev20260603
libtpu: 0.0.44.dev20260713+nightly
codegen_flags: <defaults>
</compile_context>

<pallas_src>
import functools

import jax
import jax.numpy as jnp
from jax import lax
from jax.experimental import pallas as pl
from jax.experimental.pallas import tpu as pltpu
from jax.experimental.pallas import tpu_sc as plsc

N = 4096
D = 128
ROW_BLK = 512
GRID = N // ROW_BLK
HALF = N // 2

NC = 2
NS = 16
NW = NC * NS
B_PER_W = N // NW
LANES = 16


NSTREAMS = 2
CW = N // NSTREAMS


def _degree_body(*refs):
    adj_refs = refs[:NSTREAMS]
    outd_ref, ind_ref = refs[NSTREAMS], refs[NSTREAMS + 1]
    i = pl.program_id(0)
    blks = [r[...] for r in adj_refs]
    row = jnp.sum(blks[0], axis=1)
    for b in blks[1:]:
        row = row + jnp.sum(b, axis=1)
    outd_ref[...] = row.astype(jnp.int32)
    cols = [jnp.sum(b, axis=0).astype(jnp.int32) for b in blks]

    @pl.when(i == 0)
    def _():
        for s in range(NSTREAMS):
            ind_ref[pl.ds(s * CW, CW)] = cols[s]

    @pl.when(i > 0)
    def _():
        for s in range(NSTREAMS):
            ind_ref[pl.ds(s * CW, CW)] = ind_ref[pl.ds(s * CW, CW)] + cols[s]


def _degrees(adj):
    def make_spec(s):
        return pl.BlockSpec((ROW_BLK, CW), lambda i, s=s: (i, s))

    return pl.pallas_call(
        _degree_body,
        grid=(GRID,),
        in_specs=[make_spec(s) for s in range(NSTREAMS)],
        out_specs=[
            pl.BlockSpec((ROW_BLK,), lambda i: (i,)),
            pl.BlockSpec((N,), lambda i: (0,)),
        ],
        out_shape=[
            jax.ShapeDtypeStruct((N,), jnp.int32),
            jax.ShapeDtypeStruct((N,), jnp.int32),
        ],
    )(*([adj] * NSTREAMS))


_SC_MESH = plsc.VectorSubcoreMesh(core_axis_name="c", subcore_axis_name="s")


@functools.partial(
    pl.kernel,
    mesh=_SC_MESH,
    out_type=jax.ShapeDtypeStruct((N, D), jnp.float32),
    scratch_types=[
        pltpu.VMEM((B_PER_W,), jnp.int32),
        pltpu.VMEM((B_PER_W,), jnp.int32),
        pltpu.VMEM((B_PER_W, D), jnp.float32),
        pltpu.VMEM((B_PER_W, D), jnp.float32),
        pltpu.SemaphoreType.DMA,
        pltpu.SemaphoreType.DMA,
    ],
)
def _gather_add(ind_hbm, outd_hbm, in_tab, out_tab, out_hbm,
                idx_i, idx_o, rows_i, rows_o, sem_i, sem_o):
    wid = lax.axis_index("s") * NC + lax.axis_index("c")
    base = wid * B_PER_W
    li = pltpu.async_copy(ind_hbm.at[pl.ds(base, B_PER_W)], idx_i, sem_i)
    lo = pltpu.async_copy(outd_hbm.at[pl.ds(base, B_PER_W)], idx_o, sem_o)
    li.wait()
    lo.wait()
    ci = pltpu.async_copy(in_tab.at[idx_i], rows_i, sem_i)
    co = pltpu.async_copy(out_tab.at[idx_o], rows_o, sem_o)
    ci.wait()
    co.wait()

    @plsc.parallel_loop(0, B_PER_W, unroll=2)
    def _(r):
        for c in range(D // LANES):
            sl = (r, pl.ds(c * LANES, LANES))
            rows_i[sl] = rows_i[sl] + rows_o[sl]
    pltpu.sync_copy(rows_i, out_hbm.at[pl.ds(base, B_PER_W)])


def kernel(dense_adj_mx, in_table, out_table):
    outdegree, indegree = _degrees(dense_adj_mx)
    return _gather_add(indegree, outdegree, in_table, out_table)

# --- scband reference (transcript-rebuilt; emitter-appended) ---
"""Pipeline reference for scband-centrality-pe-11098195493494 (READ-ONLY COPY).

The authoritative reference and input builder live on the scoring server;
editing this copy changes nothing except your own understanding.
"""

import jax, jax.numpy as jnp
import numpy as np

N = 4096
EMBED_DIM = 128


def setup_inputs(seed: int = 0) -> dict:
    key = jax.random.key(seed)
    k1, k2, k3 = jax.random.split(key, 3)
    # binary (unweighted) dense adjacency matrix, ~50% density
    dense_adj_mx = jax.random.randint(k1, (N, N), 0, 2).astype(jnp.float32)
    # learned parameters: in/out degree embedding tables, padding_idx=0 -> row 0 zeroed
    in_table = jax.random.normal(k2, (N + 1, EMBED_DIM), dtype=jnp.float32) * 0.02
    out_table = jax.random.normal(k3, (N + 1, EMBED_DIM), dtype=jnp.float32) * 0.02
    in_table = in_table.at[0].set(0.0)
    out_table = out_table.at[0].set(0.0)
    return {"dense_adj_mx": dense_adj_mx, "in_table": in_table, "out_table": out_table}


def reference(dense_adj_mx, in_table, out_table):
    # degree(edge_index[0]) -> out-degree histogram; degree(edge_index[1]) -> in-degree
    # adjacency is binary, so counts of nonzeros per row/col equal axis sums
    outdegree = jnp.sum(dense_adj_mx, axis=1).astype(jnp.int32)
    indegree = jnp.sum(dense_adj_mx, axis=0).astype(jnp.int32)
    # embedding lookups (degrees are in [0, N], tables have N+1 rows)
    cen_pos_en = jnp.take(in_table, indegree, axis=0) + jnp.take(out_table, outdegree, axis=0)
    return cen_pos_en

if __name__ == "__main__":
    import jax
    _d = setup_inputs()
    print(jax.jit(kernel)(*tuple(_d.values())))

</pallas_src>

<mosaic_0001>
#map = affine_map<(d0, d1) -> (0)>
#map1 = affine_map<(d0, d1) -> (0, 0)>
module attributes {stable_mosaic.version = 14 : i64} {
  func.func @_gather_add(%arg0: i32, %arg1: i32, %arg2: memref<4096xi32, #tpu.memory_space<hbm>>, %arg3: memref<4096xi32, #tpu.memory_space<hbm>>, %arg4: memref<4097x128xf32, #tpu.memory_space<hbm>>, %arg5: memref<4097x128xf32, #tpu.memory_space<hbm>>, %arg6: memref<4096x128xf32, #tpu.memory_space<hbm>>, %arg7: memref<128xi32, #tpu.memory_space<vmem>>, %arg8: memref<128xi32, #tpu.memory_space<vmem>>, %arg9: memref<128x128xf32, #tpu.memory_space<vmem>>, %arg10: memref<128x128xf32, #tpu.memory_space<vmem>>, %arg11: memref<!tpu.dma_semaphore, #tpu.memory_space<semaphore_mem>>, %arg12: memref<!tpu.dma_semaphore, #tpu.memory_space<semaphore_mem>>) attributes {dimension_semantics = [#tpu.dimension_semantics<core_parallel>, #tpu.dimension_semantics<subcore_parallel>], iteration_bounds = array<i64: 2, 16>, scalar_prefetch = 0 : i64, scratch_operands = 6 : i64, tpu.core_type = #tpu.core_type<sc_vector_subcore>, window_params = [{transform_indices = #map}, {transform_indices = #map}, {transform_indices = #map1}, {transform_indices = #map1}, {transform_indices = #map1}]} {
    %mul3A = arith.constant 2 : i32
    %mul3A_0 = arith.muli %arg1, %mul3A : i32
    %add3A = arith.addi %mul3A_0, %arg0 : i32
    %mul3A_1 = arith.constant 128 : i32
    %mul3A_2 = arith.muli %add3A, %mul3A_1 : i32
    %dma_start3A = tpu.memref_slice %arg2[%mul3A_2] : memref<4096xi32, #tpu.memory_space<hbm>> -> memref<128xi32, #tpu.memory_space<hbm>>
    %dma_start3A_3 = tpu.memref_slice %arg2[%mul3A_2] : memref<4096xi32, #tpu.memory_space<hbm>> -> memref<128xi32, #tpu.memory_space<hbm>>
    tpu.enqueue_dma source(%dma_start3A_3 : memref<128xi32, #tpu.memory_space<hbm>>) target(%arg7 : memref<128xi32, #tpu.memory_space<vmem>>) target_semaphore(%arg11 : memref<!tpu.dma_semaphore, #tpu.memory_space<semaphore_mem>>)
    %dma_start3A_4 = tpu.memref_slice %arg3[%mul3A_2] : memref<4096xi32, #tpu.memory_space<hbm>> -> memref<128xi32, #tpu.memory_space<hbm>>
    %dma_start3A_5 = tpu.memref_slice %arg3[%mul3A_2] : memref<4096xi32, #tpu.memory_space<hbm>> -> memref<128xi32, #tpu.memory_space<hbm>>
    tpu.enqueue_dma source(%dma_start3A_5 : memref<128xi32, #tpu.memory_space<hbm>>) target(%arg8 : memref<128xi32, #tpu.memory_space<vmem>>) target_semaphore(%arg12 : memref<!tpu.dma_semaphore, #tpu.memory_space<semaphore_mem>>)
    %dma_wait3A = tpu.memref_slice %arg2[%mul3A_2] : memref<4096xi32, #tpu.memory_space<hbm>> -> memref<128xi32, #tpu.memory_space<hbm>>
    %dma_wait3A_6 = tpu.memref_slice %arg2[%mul3A_2] : memref<4096xi32, #tpu.memory_space<hbm>> -> memref<128xi32, #tpu.memory_space<hbm>>
    tpu.wait_dma2 semaphore(%arg11 : memref<!tpu.dma_semaphore, #tpu.memory_space<semaphore_mem>>) src(%dma_wait3A_6 : memref<128xi32, #tpu.memory_space<hbm>>) dst(%arg7 : memref<128xi32, #tpu.memory_space<vmem>>)
    %dma_wait3A_7 = tpu.memref_slice %arg3[%mul3A_2] : memref<4096xi32, #tpu.memory_space<hbm>> -> memref<128xi32, #tpu.memory_space<hbm>>
    %dma_wait3A_8 = tpu.memref_slice %arg3[%mul3A_2] : memref<4096xi32, #tpu.memory_space<hbm>> -> memref<128xi32, #tpu.memory_space<hbm>>
    tpu.wait_dma2 semaphore(%arg12 : memref<!tpu.dma_semaphore, #tpu.memory_space<semaphore_mem>>) src(%dma_wait3A_8 : memref<128xi32, #tpu.memory_space<hbm>>) dst(%arg8 : memref<128xi32, #tpu.memory_space<vmem>>)
    %dma_start3A_9 = arith.constant 0 : i32
    %dma_start3A_10 = arith.constant 0 : i32
    %dma_start3A_11 = tpu.memref_slice %arg4[%dma_start3A_9, %dma_start3A_10] : memref<4097x128xf32, #tpu.memory_space<hbm>> -> memref<4097x128xf32, #tpu.memory_space<hbm>>
    tpu.enqueue_indirect_dma source(%dma_start3A_11 : memref<4097x128xf32, #tpu.memory_space<hbm>>) target(%arg9 : memref<128x128xf32, #tpu.memory_space<vmem>>) offsets(%arg7 : memref<128xi32, #tpu.memory_space<vmem>>) semaphore(%arg11 : memref<!tpu.dma_semaphore, #tpu.memory_space<semaphore_mem>>)
    %dma_start3A_12 = arith.constant 0 : i32
    %dma_start3A_13 = arith.constant 0 : i32
    %dma_start3A_14 = tpu.memref_slice %arg5[%dma_start3A_12, %dma_start3A_13] : memref<4097x128xf32, #tpu.memory_space<hbm>> -> memref<4097x128xf32, #tpu.memory_space<hbm>>
    tpu.enqueue_indirect_dma source(%dma_start3A_14 : memref<4097x128xf32, #tpu.memory_space<hbm>>) target(%arg10 : memref<128x128xf32, #tpu.memory_space<vmem>>) offsets(%arg8 : memref<128xi32, #tpu.memory_space<vmem>>) semaphore(%arg12 : memref<!tpu.dma_semaphore, #tpu.memory_space<semaphore_mem>>)
    %dma_wait3A_15 = arith.constant 0 : i32
    %dma_wait3A_16 = arith.constant 0 : i32
    %dma_wait3A_17 = tpu.memref_slice %arg4[%dma_wait3A_15, %dma_wait3A_16] : memref<4097x128xf32, #tpu.memory_space<hbm>> -> memref<4097x128xf32, #tpu.memory_space<hbm>>
    tpu.wait_indirect_dma semaphore(%arg11 : memref<!tpu.dma_semaphore, #tpu.memory_space<semaphore_mem>>) src(%dma_wait3A_17 : memref<4097x128xf32, #tpu.memory_space<hbm>>) dst(%arg9 : memref<128x128xf32, #tpu.memory_space<vmem>>)
    %dma_wait3A_18 = arith.constant 0 : i32
    %dma_wait3A_19 = arith.constant 0 : i32
    %dma_wait3A_20 = tpu.memref_slice %arg5[%dma_wait3A_18, %dma_wait3A_19] : memref<4097x128xf32, #tpu.memory_space<hbm>> -> memref<4097x128xf32, #tpu.memory_space<hbm>>
    tpu.wait_indirect_dma semaphore(%arg12 : memref<!tpu.dma_semaphore, #tpu.memory_space<semaphore_mem>>) src(%dma_wait3A_20 : memref<4097x128xf32, #tpu.memory_space<hbm>>) dst(%arg10 : memref<128x128xf32, #tpu.memory_space<vmem>>)
    %parallel_loop3A = arith.constant 0 : i32
    %parallel_loop3A_21 = arith.constant 128 : i32
    %parallel_loop3A_22 = arith.constant 1 : i32
    scf.for %parallel_loop3A_23 = %parallel_loop3A to %parallel_loop3A_21 step %parallel_loop3A_22  : i32 {
      %parallel_loop3A_24 = arith.index_cast %parallel_loop3A_23 : i32 to index
      %parallel_loop3A_25 = arith.constant 0 : index
      %parallel_loop3A_26 = tpu.vector_load %arg9[%parallel_loop3A_24, %parallel_loop3A_25] {strides = array<i32>} : memref<128x128xf32, #tpu.memory_space<vmem>>, vector<1x16xf32>,
      %parallel_loop3A_27 = vector.shape_cast %parallel_loop3A_26 : vector<1x16xf32> to vector<16xf32>
      %parallel_loop3A_28 = arith.index_cast %parallel_loop3A_23 : i32 to index
      %parallel_loop3A_29 = arith.constant 0 : index
      %parallel_loop3A_30 = tpu.vector_load %arg10[%parallel_loop3A_28, %parallel_loop3A_29] {strides = array<i32>} : memref<128x128xf32, #tpu.memory_space<vmem>>, vector<1x16xf32>,
      %parallel_loop3A_31 = vector.shape_cast %parallel_loop3A_30 : vector<1x16xf32> to vector<16xf32>
      %parallel_loop3A_32 = arith.addf %parallel_loop3A_27, %parallel_loop3A_31 : vector<16xf32>
      %parallel_loop3A_33 = arith.index_cast %parallel_loop3A_23 : i32 to index
      %parallel_loop3A_34 = arith.constant 0 : index
      %parallel_loop3A_35 = tpu.vector_load %arg9[%parallel_loop3A_33, %parallel_loop3A_34] {strides = array<i32>} : memref<128x128xf32, #tpu.memory_space<vmem>>, vector<1x16xf32>,
      %parallel_loop3A_36 = vector.shape_cast %parallel_loop3A_35 : vector<1x16xf32> to vector<16xf32>
      %parallel_loop3A_37 = vector.shape_cast %parallel_loop3A_32 : vector<16xf32> to vector<1x16xf32>
      tpu.vector_store %arg9[%parallel_loop3A_33, %parallel_loop3A_34], %parallel_loop3A_37 {strides = array<i32>} : memref<128x128xf32, #tpu.memory_space<vmem>>, vector<1x16xf32>,
      %parallel_loop3A_38 = arith.index_cast %parallel_loop3A_23 : i32 to index
      %parallel_loop3A_39 = arith.constant 16 : index
      %parallel_loop3A_40 = tpu.vector_load %arg9[%parallel_loop3A_38, %parallel_loop3A_39] {strides = array<i32>} : memref<128x128xf32, #tpu.memory_space<vmem>>, vector<1x16xf32>,
      %parallel_loop3A_41 = vector.shape_cast %parallel_loop3A_40 : vector<1x16xf32> to vector<16xf32>
      %parallel_loop3A_42 = arith.index_cast %parallel_loop3A_23 : i32 to index
      %parallel_loop3A_43 = arith.constant 16 : index
      %parallel_loop3A_44 = tpu.vector_load %arg10[%parallel_loop3A_42, %parallel_loop3A_43] {strides = array<i32>} : memref<128x128xf32, #tpu.memory_space<vmem>>, vector<1x16xf32>,
      %parallel_loop3A_45 = vector.shape_cast %parallel_loop3A_44 : vector<1x16xf32> to vector<16xf32>
      %parallel_loop3A_46 = arith.addf %parallel_loop3A_41, %parallel_loop3A_45 : vector<16xf32>
      %parallel_loop3A_47 = arith.index_cast %parallel_loop3A_23 : i32 to index
      %parallel_loop3A_48 = arith.constant 16 : index
      %parallel_loop3A_49 = tpu.vector_load %arg9[%parallel_loop3A_47, %parallel_loop3A_48] {strides = array<i32>} : memref<128x128xf32, #tpu.memory_space<vmem>>, vector<1x16xf32>,
      %parallel_loop3A_50 = vector.shape_cast %parallel_loop3A_49 : vector<1x16xf32> to vector<16xf32>
      %parallel_loop3A_51 = vector.shape_cast %parallel_loop3A_46 : vector<16xf32> to vector<1x16xf32>
      tpu.vector_store %arg9[%parallel_loop3A_47, %parallel_loop3A_48], %parallel_loop3A_51 {strides = array<i32>} : memref<128x128xf32, #tpu.memory_space<vmem>>, vector<1x16xf32>,
      %parallel_loop3A_52 = arith.index_cast %parallel_loop3A_23 : i32 to index
      %parallel_loop3A_53 = arith.constant 32 : index
      %parallel_loop3A_54 = tpu.vector_load %arg9[%parallel_loop3A_52, %parallel_loop3A_53] {strides = array<i32>} : memref<128x128xf32, #tpu.memory_space<vmem>>, vector<1x16xf32>,
      %parallel_loop3A_55 = vector.shape_cast %parallel_loop3A_54 : vector<1x16xf32> to vector<16xf32>
      %parallel_loop3A_56 = arith.index_cast %parallel_loop3A_23 : i32 to index
      %parallel_loop3A_57 = arith.constant 32 : index
      %parallel_loop3A_58 = tpu.vector_load %arg10[%parallel_loop3A_56, %parallel_loop3A_57] {strides = array<i32>} : memref<128x128xf32, #tpu.memory_space<vmem>>, vector<1x16xf32>,
      %parallel_loop3A_59 = vector.shape_cast %parallel_loop3A_58 : vector<1x16xf32> to vector<16xf32>
      %parallel_loop3A_60 = arith.addf %parallel_loop3A_55, %parallel_loop3A_59 : vector<16xf32>
      %parallel_loop3A_61 = arith.index_cast %parallel_loop3A_23 : i32 to index
      %parallel_loop3A_62 = arith.constant 32 : index
      %parallel_loop3A_63 = tpu.vector_load %arg9[%parallel_loop3A_61, %parallel_loop3A_62] {strides = array<i32>} : memref<128x128xf32, #tpu.memory_space<vmem>>, vector<1x16xf32>,
      %parallel_loop3A_64 = vector.shape_cast %parallel_loop3A_63 : vector<1x16xf32> to vector<16xf32>
      %parallel_loop3A_65 = vector.shape_cast %parallel_loop3A_60 : vector<16xf32> to vector<1x16xf32>
      tpu.vector_store %arg9[%parallel_loop3A_61, %parallel_loop3A_62], %parallel_loop3A_65 {strides = array<i32>} : memref<128x128xf32, #tpu.memory_space<vmem>>, vector<1x16xf32>,
      %parallel_loop3A_66 = arith.index_cast %parallel_loop3A_23 : i32 to index
      %parallel_loop3A_67 = arith.constant 48 : index
      %parallel_loop3A_68 = tpu.vector_load %arg9[%parallel_loop3A_66, %parallel_loop3A_67] {strides = array<i32>} : memref<128x128xf32, #tpu.memory_space<vmem>>, vector<1x16xf32>,
      %parallel_loop3A_69 = vector.shape_cast %parallel_loop3A_68 : vector<1x16xf32> to vector<16xf32>
      %parallel_loop3A_70 = arith.index_cast %parallel_loop3A_23 : i32 to index
      %parallel_loop3A_71 = arith.constant 48 : index
      %parallel_loop3A_72 = tpu.vector_load %arg10[%parallel_loop3A_70, %parallel_loop3A_71] {strides = array<i32>} : memref<128x128xf32, #tpu.memory_space<vmem>>, vector<1x16xf32>,
      %parallel_loop3A_73 = vector.shape_cast %parallel_loop3A_72 : vector<1x16xf32> to vector<16xf32>
      %parallel_loop3A_74 = arith.addf %parallel_loop3A_69, %parallel_loop3A_73 : vector<16xf32>
      %parallel_loop3A_75 = arith.index_cast %parallel_loop3A_23 : i32 to index
      %parallel_loop3A_76 = arith.constant 48 : index
      %parallel_loop3A_77 = tpu.vector_load %arg9[%parallel_loop3A_75, %parallel_loop3A_76] {strides = array<i32>} : memref<128x128xf32, #tpu.memory_space<vmem>>, vector<1x16xf32>,
      %parallel_loop3A_78 = vector.shape_cast %parallel_loop3A_77 : vector<1x16xf32> to vector<16xf32>
      %parallel_loop3A_79 = vector.shape_cast %parallel_loop3A_74 : vector<16xf32> to vector<1x16xf32>
      tpu.vector_store %arg9[%parallel_loop3A_75, %parallel_loop3A_76], %parallel_loop3A_79 {strides = array<i32>} : memref<128x128xf32, #tpu.memory_space<vmem>>, vector<1x16xf32>,
      %parallel_loop3A_80 = arith.index_cast %parallel_loop3A_23 : i32 to index
      %parallel_loop3A_81 = arith.constant 64 : index
      %parallel_loop3A_82 = tpu.vector_load %arg9[%parallel_loop3A_80, %parallel_loop3A_81] {strides = array<i32>} : memref<128x128xf32, #tpu.memory_space<vmem>>, vector<1x16xf32>,
      %parallel_loop3A_83 = vector.shape_cast %parallel_loop3A_82 : vector<1x16xf32> to vector<16xf32>
      %parallel_loop3A_84 = arith.index_cast %parallel_loop3A_23 : i32 to index
      %parallel_loop3A_85 = arith.constant 64 : index
      %parallel_loop3A_86 = tpu.vector_load %arg10[%parallel_loop3A_84, %parallel_loop3A_85] {strides = array<i32>} : memref<128x128xf32, #tpu.memory_space<vmem>>, vector<1x16xf32>,
      %parallel_loop3A_87 = vector.shape_cast %parallel_loop3A_86 : vector<1x16xf32> to vector<16xf32>
      %parallel_loop3A_88 = arith.addf %parallel_loop3A_83, %parallel_loop3A_87 : vector<16xf32>
      %parallel_loop3A_89 = arith.index_cast %parallel_loop3A_23 : i32 to index
      %parallel_loop3A_90 = arith.constant 64 : index
      %parallel_loop3A_91 = tpu.vector_load %arg9[%parallel_loop3A_89, %parallel_loop3A_90] {strides = array<i32>} : memref<128x128xf32, #tpu.memory_space<vmem>>, vector<1x16xf32>,
      %parallel_loop3A_92 = vector.shape_cast %parallel_loop3A_91 : vector<1x16xf32> to vector<16xf32>
      %parallel_loop3A_93 = vector.shape_cast %parallel_loop3A_88 : vector<16xf32> to vector<1x16xf32>
      tpu.vector_store %arg9[%parallel_loop3A_89, %parallel_loop3A_90], %parallel_loop3A_93 {strides = array<i32>} : memref<128x128xf32, #tpu.memory_space<vmem>>, vector<1x16xf32>,
      %parallel_loop3A_94 = arith.index_cast %parallel_loop3A_23 : i32 to index
      %parallel_loop3A_95 = arith.constant 80 : index
      %parallel_loop3A_96 = tpu.vector_load %arg9[%parallel_loop3A_94, %parallel_loop3A_95] {strides = array<i32>} : memref<128x128xf32, #tpu.memory_space<vmem>>, vector<1x16xf32>,
      %parallel_loop3A_97 = vector.shape_cast %parallel_loop3A_96 : vector<1x16xf32> to vector<16xf32>
      %parallel_loop3A_98 = arith.index_cast %parallel_loop3A_23 : i32 to index
      %parallel_loop3A_99 = arith.constant 80 : index
      %parallel_loop3A_100 = tpu.vector_load %arg10[%parallel_loop3A_98, %parallel_loop3A_99] {strides = array<i32>} : memref<128x128xf32, #tpu.memory_space<vmem>>, vector<1x16xf32>,
      %parallel_loop3A_101 = vector.shape_cast %parallel_loop3A_100 : vector<1x16xf32> to vector<16xf32>
      %parallel_loop3A_102 = arith.addf %parallel_loop3A_97, %parallel_loop3A_101 : vector<16xf32>
      %parallel_loop3A_103 = arith.index_cast %parallel_loop3A_23 : i32 to index
      %parallel_loop3A_104 = arith.constant 80 : index
      %parallel_loop3A_105 = tpu.vector_load %arg9[%parallel_loop3A_103, %parallel_loop3A_104] {strides = array<i32>} : memref<128x128xf32, #tpu.memory_space<vmem>>, vector<1x16xf32>,
      %parallel_loop3A_106 = vector.shape_cast %parallel_loop3A_105 : vector<1x16xf32> to vector<16xf32>
      %parallel_loop3A_107 = vector.shape_cast %parallel_loop3A_102 : vector<16xf32> to vector<1x16xf32>
      tpu.vector_store %arg9[%parallel_loop3A_103, %parallel_loop3A_104], %parallel_loop3A_107 {strides = array<i32>} : memref<128x128xf32, #tpu.memory_space<vmem>>, vector<1x16xf32>,
      %parallel_loop3A_108 = arith.index_cast %parallel_loop3A_23 : i32 to index
      %parallel_loop3A_109 = arith.constant 96 : index
      %parallel_loop3A_110 = tpu.vector_load %arg9[%parallel_loop3A_108, %parallel_loop3A_109] {strides = array<i32>} : memref<128x128xf32, #tpu.memory_space<vmem>>, vector<1x16xf32>,
      %parallel_loop3A_111 = vector.shape_cast %parallel_loop3A_110 : vector<1x16xf32> to vector<16xf32>
      %parallel_loop3A_112 = arith.index_cast %parallel_loop3A_23 : i32 to index
      %parallel_loop3A_113 = arith.constant 96 : index
      %parallel_loop3A_114 = tpu.vector_load %arg10[%parallel_loop3A_112, %parallel_loop3A_113] {strides = array<i32>} : memref<128x128xf32, #tpu.memory_space<vmem>>, vector<1x16xf32>,
      %parallel_loop3A_115 = vector.shape_cast %parallel_loop3A_114 : vector<1x16xf32> to vector<16xf32>
      %parallel_loop3A_116 = arith.addf %parallel_loop3A_111, %parallel_loop3A_115 : vector<16xf32>
      %parallel_loop3A_117 = arith.index_cast %parallel_loop3A_23 : i32 to index
      %parallel_loop3A_118 = arith.constant 96 : index
      %parallel_loop3A_119 = tpu.vector_load %arg9[%parallel_loop3A_117, %parallel_loop3A_118] {strides = array<i32>} : memref<128x128xf32, #tpu.memory_space<vmem>>, vector<1x16xf32>,
      %parallel_loop3A_120 = vector.shape_cast %parallel_loop3A_119 : vector<1x16xf32> to vector<16xf32>
      %parallel_loop3A_121 = vector.shape_cast %parallel_loop3A_116 : vector<16xf32> to vector<1x16xf32>
      tpu.vector_store %arg9[%parallel_loop3A_117, %parallel_loop3A_118], %parallel_loop3A_121 {strides = array<i32>} : memref<128x128xf32, #tpu.memory_space<vmem>>, vector<1x16xf32>,
      %parallel_loop3A_122 = arith.index_cast %parallel_loop3A_23 : i32 to index
      %parallel_loop3A_123 = arith.constant 112 : index
      %parallel_loop3A_124 = tpu.vector_load %arg9[%parallel_loop3A_122, %parallel_loop3A_123] {strides = array<i32>} : memref<128x128xf32, #tpu.memory_space<vmem>>, vector<1x16xf32>,
      %parallel_loop3A_125 = vector.shape_cast %parallel_loop3A_124 : vector<1x16xf32> to vector<16xf32>
      %parallel_loop3A_126 = arith.index_cast %parallel_loop3A_23 : i32 to index
      %parallel_loop3A_127 = arith.constant 112 : index
      %parallel_loop3A_128 = tpu.vector_load %arg10[%parallel_loop3A_126, %parallel_loop3A_127] {strides = array<i32>} : memref<128x128xf32, #tpu.memory_space<vmem>>, vector<1x16xf32>,
      %parallel_loop3A_129 = vector.shape_cast %parallel_loop3A_128 : vector<1x16xf32> to vector<16xf32>
      %parallel_loop3A_130 = arith.addf %parallel_loop3A_125, %parallel_loop3A_129 : vector<16xf32>
      %parallel_loop3A_131 = arith.index_cast %parallel_loop3A_23 : i32 to index
      %parallel_loop3A_132 = arith.constant 112 : index
      %parallel_loop3A_133 = tpu.vector_load %arg9[%parallel_loop3A_131, %parallel_loop3A_132] {strides = array<i32>} : memref<128x128xf32, #tpu.memory_space<vmem>>, vector<1x16xf32>,
      %parallel_loop3A_134 = vector.shape_cast %parallel_loop3A_133 : vector<1x16xf32> to vector<16xf32>
      %parallel_loop3A_135 = vector.shape_cast %parallel_loop3A_130 : vector<16xf32> to vector<1x16xf32>
      tpu.vector_store %arg9[%parallel_loop3A_131, %parallel_loop3A_132], %parallel_loop3A_135 {strides = array<i32>} : memref<128x128xf32, #tpu.memory_space<vmem>>, vector<1x16xf32>,
    } {sc.loop_unroll_factor = 2 : i64, sc.parallel_access}
    "tpu.region"() ({
      %run_scoped3A = tpu.sem_alloc : memref<!tpu.dma_semaphore, #tpu.memory_space<semaphore_mem>>
      %dma_start3A_23 = arith.constant 0 : i32
      %dma_start3A_24 = tpu.memref_slice %arg6[%mul3A_2, %dma_start3A_23] : memref<4096x128xf32, #tpu.memory_space<hbm>> -> memref<128x128xf32, #tpu.memory_space<hbm>>
      %dma_start3A_25 = arith.constant 0 : i32
      %dma_start3A_26 = tpu.memref_slice %arg6[%mul3A_2, %dma_start3A_25] : memref<4096x128xf32, #tpu.memory_space<hbm>> -> memref<128x128xf32, #tpu.memory_space<hbm>>
      tpu.enqueue_dma source(%arg9 : memref<128x128xf32, #tpu.memory_space<vmem>>) target(%dma_start3A_26 : memref<128x128xf32, #tpu.memory_space<hbm>>) target_semaphore(%run_scoped3A : memref<!tpu.dma_semaphore, #tpu.memory_space<semaphore_mem>>)
      %dma_wait3A_27 = arith.constant 0 : i32
      %dma_wait3A_28 = tpu.memref_slice %arg6[%mul3A_2, %dma_wait3A_27] : memref<4096x128xf32, #tpu.memory_space<hbm>> -> memref<128x128xf32, #tpu.memory_space<hbm>>
      %dma_wait3A_29 = arith.constant 0 : i32
      %dma_wait3A_30 = tpu.memref_slice %arg6[%mul3A_2, %dma_wait3A_29] : memref<4096x128xf32, #tpu.memory_space<hbm>> -> memref<128x128xf32, #tpu.memory_space<hbm>>
      tpu.wait_dma2 semaphore(%run_scoped3A : memref<!tpu.dma_semaphore, #tpu.memory_space<semaphore_mem>>) src(%arg9 : memref<128x128xf32, #tpu.memory_space<vmem>>) dst(%dma_wait3A_30 : memref<128x128xf32, #tpu.memory_space<hbm>>)
      tpu.yield
    }) : () -> ()
    return
  }
}

module attributes {stable_mosaic.version = 14 : i64} {
  func.func @_degree_body(%arg0: i32, %arg1: memref<512x2048xf32, #tpu.memory_space<vmem>>, %arg2: memref<512x2048xf32, #tpu.memory_space<vmem>>, %arg3: memref<512xi32, #tpu.memory_space<vmem>>, %arg4: memref<4096xi32, #tpu.memory_space<vmem>>) attributes {dimension_semantics = [#tpu.dimension_semantics<arbitrary>], iteration_bounds = array<i64: 8>, scalar_prefetch = 0 : i64, scratch_operands = 0 : i64, tpu.core_type = #tpu.core_type<tc>, window_params = [{transform_indices = @transform_0, window_bounds = array<i64: 512, 2048>}, {transform_indices = @transform_1, window_bounds = array<i64: 512, 2048>}, {transform_indices = @transform_2, window_bounds = array<i64: 512>}, {pipeline_mode = #tpu.pipeline_mode<synchronous>, transform_indices = @transform_3, window_bounds = array<i64: 4096>}]} {
    %get3A = arith.constant 0 : index
    %get3A_0 = arith.constant 0 : index
    %get3A_1 = vector.load %arg1[%get3A, %get3A_0] : memref<512x2048xf32, #tpu.memory_space<vmem>>, vector<512x2048xf32>
    %get3A_2 = arith.constant 0 : index
    %get3A_3 = arith.constant 0 : index
    %get3A_4 = vector.load %arg2[%get3A_2, %get3A_3] : memref<512x2048xf32, #tpu.memory_space<vmem>>, vector<512x2048xf32>
    %reduce_sum3A = arith.constant dense<0.000000e+00> : vector<512xf32>
    %reduce_sum3A_5 = vector.multi_reduction <add>, %get3A_1, %reduce_sum3A [1] : vector<512x2048xf32> to vector<512xf32>
    %reduce_sum3A_6 = arith.constant dense<0.000000e+00> : vector<512xf32>
    %reduce_sum3A_7 = vector.multi_reduction <add>, %get3A_4, %reduce_sum3A_6 [1] : vector<512x2048xf32> to vector<512xf32>
    %add3A = arith.addf %reduce_sum3A_5, %reduce_sum3A_7 : vector<512xf32>
    %convert_element_type3A = arith.fptosi %add3A : vector<512xf32> to vector<512xi32>
    %swap3A = arith.constant 0 : index
    %swap3A_8 = vector.load %arg3[%swap3A] : memref<512xi32, #tpu.memory_space<vmem>>, vector<512xi32>
    tpu.vector_store %arg3[%swap3A], %convert_element_type3A {strides = array<i32>} : memref<512xi32, #tpu.memory_space<vmem>>, vector<512xi32>,
    %reduce_sum3A_9 = arith.constant dense<0.000000e+00> : vector<2048xf32>
    %reduce_sum3A_10 = vector.multi_reduction <add>, %get3A_1, %reduce_sum3A_9 [0] : vector<512x2048xf32> to vector<2048xf32>
    %convert_element_type3A_11 = arith.fptosi %reduce_sum3A_10 : vector<2048xf32> to vector<2048xi32>
    %reduce_sum3A_12 = arith.constant dense<0.000000e+00> : vector<2048xf32>
    %reduce_sum3A_13 = vector.multi_reduction <add>, %get3A_4, %reduce_sum3A_12 [0] : vector<512x2048xf32> to vector<2048xf32>
    %convert_element_type3A_14 = arith.fptosi %reduce_sum3A_13 : vector<2048xf32> to vector<2048xi32>
    %eq3A = arith.constant 0 : i32
    %eq3A_15 = arith.cmpi eq, %arg0, %eq3A : i32
    %convert_element_type3A_16 = arith.extui %eq3A_15 : i1 to i32
    %cond3A = arith.constant 0 : i32
    %cond3A_17 = arith.cmpi ne, %convert_element_type3A_16, %cond3A : i32
    scf.if %cond3A_17 {
      %swap3A_22 = arith.constant 0 : index
      %swap3A_23 = vector.load %arg4[%swap3A_22] : memref<4096xi32, #tpu.memory_space<vmem>>, vector<2048xi32>
      tpu.vector_store %arg4[%swap3A_22], %convert_element_type3A_11 {strides = array<i32>} : memref<4096xi32, #tpu.memory_space<vmem>>, vector<2048xi32>,
      %swap3A_24 = arith.constant 2048 : index
      %swap3A_25 = vector.load %arg4[%swap3A_24] : memref<4096xi32, #tpu.memory_space<vmem>>, vector<2048xi32>
      tpu.vector_store %arg4[%swap3A_24], %convert_element_type3A_14 {strides = array<i32>} : memref<4096xi32, #tpu.memory_space<vmem>>, vector<2048xi32>,
    } else {
    }
    %gt3A = arith.constant 0 : i32
    %gt3A_18 = arith.cmpi sgt, %arg0, %gt3A : i32
    %convert_element_type3A_19 = arith.extui %gt3A_18 : i1 to i32
    %cond3A_20 = arith.constant 0 : i32
    %cond3A_21 = arith.cmpi ne, %convert_element_type3A_19, %cond3A_20 : i32
    scf.if %cond3A_21 {
      %get3A_22 = arith.constant 0 : index
      %get3A_23 = vector.load %arg4[%get3A_22] : memref<4096xi32, #tpu.memory_space<vmem>>, vector<2048xi32>
      %add3A_24 = arith.addi %get3A_23, %convert_element_type3A_11 : vector<2048xi32>
      %swap3A_25 = arith.constant 0 : index
      %swap3A_26 = vector.load %arg4[%swap3A_25] : memref<4096xi32, #tpu.memory_space<vmem>>, vector<2048xi32>
      tpu.vector_store %arg4[%swap3A_25], %add3A_24 {strides = array<i32>} : memref<4096xi32, #tpu.memory_space<vmem>>, vector<2048xi32>,
      %get3A_27 = arith.constant 2048 : index
      %get3A_28 = vector.load %arg4[%get3A_27] : memref<4096xi32, #tpu.memory_space<vmem>>, vector<2048xi32>
      %add3A_29 = arith.addi %get3A_28, %convert_element_type3A_14 : vector<2048xi32>
      %swap3A_30 = arith.constant 2048 : index
      %swap3A_31 = vector.load %arg4[%swap3A_30] : memref<4096xi32, #tpu.memory_space<vmem>>, vector<2048xi32>
      tpu.vector_store %arg4[%swap3A_30], %add3A_29 {strides = array<i32>} : memref<4096xi32, #tpu.memory_space<vmem>>, vector<2048xi32>,
    } else {
    }
    return
  }
  func.func @transform_0(%arg0: i32) -> (i32, i32) {
    %c0_i32 = arith.constant 0 : i32
    %c0_i32_0 = arith.constant 0 : i32
    return %arg0, %c0_i32 : i32, i32
  }
  func.func @transform_1(%arg0: i32) -> (i32, i32) {
    %c1_i32 = arith.constant 1 : i32
    %c0_i32 = arith.constant 0 : i32
    return %arg0, %c1_i32 : i32, i32
  }
  func.func @transform_2(%arg0: i32) -> i32 {
    %c0_i32 = arith.constant 0 : i32
    return %arg0 : i32
  }
  func.func @transform_3(%arg0: i32) -> i32 {
    %c0_i32 = arith.constant 0 : i32
    %c0_i32_0 = arith.constant 0 : i32
    return %c0_i32 : i32
  }
}

</mosaic_0001>

<sc_bundles>
// kernel: kernel.4.cloned.1.call-start
scs
__scs_entry_jumppad:
0x0: {  	(pc) =	sbr.rel $0x88, $3  }
0x1: {  	(tag) =	ssettag $0x0;
	lr =	simm.s32 $0x1  }
0x2: {  	[smem:$0x3F9E] =	sst lr;
	_ =	strace $0xD0000000  }
0x3: {  	_ = 	snop  }
0x4: {  	_ = 	snop  }
0x5: {  	_ = 	snop  }
0x6: {  	_ = 	snop  }
0x7: {  	_ = 	snop  }
__scs_overlays_trampoline_lowered:
0x8: {  	[smem:$0x3FAD] =	sst s0  }
0x9: {  	[smem:$0x3FAE] =	sst s1  }
0xa: {  	[smem:$0x3FAF] =	sst s2  }
0xb: {  	[smem:$0x3FB0] =	sst s3  }
0xc: {  	[smem:$0x3FB1] =	sst s4  }
0xd: {  	[smem:$0x3FB2] =	sst s5  }
0xe: {  	[smem:$0x3FB3] =	sst s6  }
0xf: {  	[smem:$0x3FB4] =	sst s7  }
0x10: {  	[smem:$0x3FB5] =	sst s8  }
0x11: {  	[smem:$0x3FB6] =	sst s9;
	s0 =	simm.s32 @!p0 $0x0  }
0x12: {  	s1 =	sld [smem:$0x3F9C];
	s0 =	simm.s32 @p0 $0x1  }
0x13: {  	[smem:$0x3FB7] =	sst s0;
	s0 =	simm.s32 @!p1 $0x0  }
0x14: {  	s2 =	sld [smem:$0x3F9B];
	s0 =	simm.s32 @p1 $0x1  }
0x15: {  	[smem:$0x3FB8] =	sst s0;
	s0 =	simm.s32 @!p2 $0x0  }
0x16: {  	s3 =	sld [smem:$0x3FDB];
	s0 =	simm.s32 @p2 $0x1  }
0x17: {  	s4 =	simm.s32 $0x1BF5;
	[smem:$0x3FBA] =	sst s0  }
0x18: {  	s0 =	sld [smem:$0x3F9D];
	_ =	swait.ge [sflag:s4], $0x0  }
0x19: {  	s7 =	sld [smem:$0x3F9E]  }
0x1a: {  	s8 =	sadd.s32 $0xFFFFE003, lr  }
0x1b: {  	s9 =	sadd.s32 $0xFFFFFEF7, lr;
	s5 =	simm.s32 $0xFFFFFFFF;
	p2 =	slt.u32 s8, $0xFFFFF086  }
0x1c: {  	p1 =	slt.u32 s9, $0xF7A;
	s5 =	simm.s32 @!p2 $0x0  }
0x1d: {  	s5 =	simm.s32 @p1 $0x1;
	p0 =	seq.s32 s7, s2  }
0x1e: {  	s7 =	smul.u32 @!p0 $0xF7A, s2;
	p2 =	seq.s32 @!p0 s5, $0x0  }
0x1f: {  	s9 =	smul.u32 $0xF7A, s1;
	s8 =	simm.s32 @!p0 $0x1BF5;
	p2 =	por !p2, p0  }
0x20: {  	[sflag:s8] =	ssyncset.s32 @!p0 $0xFFFFF086;
	s6 =	sadd.s32 @!p0 s3, s7;
	s7 =	simm.s32 @!p0 $0x108  }
0x21: {  	s3 =	sadd.s32 s3, s9;
	s6 =	sadd.s32 @!p0 $0x88, s6;
	s7 =	simm.s32 @p2 $0x1082  }
0x22: {  	[simem:s7], [sflag:s8] =	dma.local @!p0 [hbm:s6], $0xF7A  }
0x23: {  	s9 =	sor.u32 $0xD0000000, s2;
	s6 =	simm.s32 $0x108;
	_ =	swait.ge @!p0 [sflag:s8], $0x0  }
0x24: {  	s3 =	sadd.s32 $0x88, s3;
	s6 =	simm.s32 @!p1 $0x1082;
	[sflag:s4] =	ssyncset.s32 $0xFFFFF086  }
0x25: {  	[simem:s6], [sflag:s4] =	dma.local [hbm:s3], $0xF7A  }
0x26: {  	[smem:$0x3F9E] =	sst s1;
	(tag) =	ssettag s2;
	_ =	strace s9  }
0x27: {  	s1 =	sld [smem:$0x3FAE]  }
0x28: {  	s2 =	sld [smem:$0x3FAF]  }
0x29: {  	s4 =	sld [smem:$0x3FB1]  }
0x2a: {  	p0 =	seq.s32 s5, $0x0;
	s5 =	sld [smem:$0x3FB2]  }
0x2b: {  	s6 =	sld [smem:$0x3FB3]  }
0x2c: {  	s7 =	sld [smem:$0x3FB4]  }
0x2d: {  	s3 =	simm.s32 $0x108;
	s8 =	sld [smem:$0x3FB5]  }
0x2e: {  	s3 =	simm.s32 @!p0 $0x1082;
	s9 =	sld [smem:$0x3FB6]  }
0x2f: {  	lr =	sadd.s32 s0, s3;
	s0 =	sld [smem:$0x3FAD]  }
0x30: {  	s3 =	sld [smem:$0x3FB0]  }
0x31: {  	[smem:$0x3FB9] =	sst s10  }
0x32: {  	s10 =	sld [smem:$0x3FB7];
	_ =	sdelay $0x3  }
0x33: {  	p0 =	seq.s32 s10, $0x1;
	s10 =	sld [smem:$0x3FB9];
	_ =	sdelay $0x3  }
0x34: {  	[smem:$0x3FB9] =	sst s10  }
0x35: {  	s10 =	sld [smem:$0x3FB8];
	_ =	sdelay $0x3  }
0x36: {  	p1 =	seq.s32 s10, $0x1;
	s10 =	sld [smem:$0x3FB9];
	_ =	sdelay $0x3  }
0x37: {  	[smem:$0x3FB9] =	sst s10  }
0x38: {  	s10 =	sld [smem:$0x3FBA]  }
0x39: {  	_ = 	snop;
	(pc) =	sbr.ind lr, $3  }
0x3a: {  	_ = 	snop  }
0x3b: {  	_ = 	snop  }
0x3c: {  	p2 =	seq.s32 s10, $0x1;
	s10 =	sld [smem:$0x3FB9]  }
0x3d: {  	_ =	shalt  }
0x3e: {  	_ =	shalt  }
0x3f: {  	_ =	shalt  }
0x40: {  	_ =	shalt  }
0x41: {  	_ =	shalt  }
0x42: {  	_ =	shalt  }
0x43: {  	_ =	shalt  }
0x44: {  	_ =	shalt  }
0x45: {  	_ =	shalt  }
0x46: {  	_ =	shalt  }
0x47: {  	_ =	shalt  }
0x48: {  	_ =	shalt  }
0x49: {  	_ =	shalt  }
0x4a: {  	_ =	shalt  }
0x4b: {  	_ =	shalt  }
0x4c: {  	_ =	shalt  }
0x4d: {  	_ =	shalt  }
0x4e: {  	_ =	shalt  }
0x4f: {  	_ =	shalt  }
0x50: {  	_ =	shalt  }
0x51: {  	_ =	shalt  }
0x52: {  	_ =	shalt  }
0x53: {  	_ =	shalt  }
0x54: {  	_ =	shalt  }
0x55: {  	_ =	shalt  }
0x56: {  	_ =	shalt  }
0x57: {  	_ =	shalt  }
0x58: {  	_ =	shalt  }
0x59: {  	_ =	shalt  }
0x5a: {  	_ =	shalt  }
0x5b: {  	_ =	shalt  }
0x5c: {  	_ =	shalt  }
0x5d: {  	_ =	shalt  }
0x5e: {  	_ =	shalt  }
0x5f: {  	_ =	shalt  }
0x60: {  	_ =	shalt  }
0x61: {  	_ =	shalt  }
0x62: {  	_ =	shalt  }
0x63: {  	_ =	shalt  }
0x64: {  	_ =	shalt  }
0x65: {  	_ =	shalt  }
0x66: {  	_ =	shalt  }
0x67: {  	_ =	shalt  }
0x68: {  	_ =	shalt  }
0x69: {  	_ =	shalt  }
0x6a: {  	_ =	shalt  }
0x6b: {  	_ =	shalt  }
0x6c: {  	_ =	shalt  }
0x6d: {  	_ =	shalt  }
0x6e: {  	_ =	shalt  }
0x6f: {  	_ =	shalt  }
0x70: {  	_ =	shalt  }
0x71: {  	_ =	shalt  }
0x72: {  	_ =	shalt  }
0x73: {  	_ =	shalt  }
0x74: {  	_ =	shalt  }
0x75: {  	_ =	shalt  }
0x76: {  	_ =	shalt  }
0x77: {  	_ =	shalt  }
0x78: {  	_ =	shalt  }
0x79: {  	_ =	shalt  }
0x7a: {  	_ =	shalt  }
0x7b: {  	_ =	shalt  }
0x7c: {  	_ =	shalt  }
0x7d: {  	_ =	shalt  }
0x7e: {  	_ =	shalt  }
0x7f: {  	_ =	shalt  }
0x80: {  	_ =	shalt  }
0x81: {  	_ =	shalt  }
0x82: {  	_ =	shalt  }
0x83: {  	_ =	shalt  }
0x84: {  	_ =	shalt  }
0x85: {  	_ =	shalt  }
0x86: {  	_ =	shalt  }
0x87: {  	_ =	shalt  }
.Lfunc_end0:
.L_simem_size_0:
called_computation_lowered:
.L_overlay_start_0:
0x88: {  	s2 =	sld [smem:$0x3FD9]  }
0x89: {  	s3 =	sld [smem:$0x3FFE];
	_ =	sdelay $0x1  }
0x8a: {  	s1 =	srdreg.scid  }
0x8b: {  	s0 =	sand.u32 $0x1, s1  }
0x8c: {  	s17 =	sshll.u32 s0, $0xA;
	s2 =	sadd.s32 s3, s2  }
0x8d: {  	s2 =	sadd.s32 s2, s17  }
0x8e: {  	[smem:$0x3FC5] =	sst s2  }
0x8f: {  	_ = 	snop  }
0x90: {  	s2 =	sld [smem:$0x3FC8]  }
0x91: {  	s18 =	sld [smem:$0x3FC7]  }
0x92: {  	s4 =	sld [smem:$0x3FD0];
	(tm) =	ssettm $0x1  }
0x93: {  	s5 =	sld [smem:$0x3FFB];
	_ =	sdelay $0x3  }
0x94: {  	_ =	strace s5  }
0x95: {  	s5 =	sld [smem:$0x3FFC];
	_ =	sdelay $0x3  }
0x96: {  	_ =	strace s5  }
0x97: {  	s5 =	sld [smem:$0x3FFD];
	_ =	sdelay $0x3  }
0x98: {  	_ =	strace s5  }
0x99: {  	_ =	strace $0x8FFFFFFF  }
0x9a: {  	s19 =	sld [smem:$0x3FDB];
	_ =	sdelay $0x1  }
0x9b: {  	s6 =	simm.s32 $_scs_section_size  }
0x9c: {  	s7 =	simm.s32 $_size__tile_overlayer_lowered;
	s8 =	simm.s32 $_tile_overlayer_lowered  }
0x9d: {  	s22 =	simm.s32 $0x1BFF;
	s21 =	sshll.u32 s8, $0x1;
	s5 =	sadd.s32 s6, s19  }
0x9e: {  	s9 =	simm.s32 $0x0;
	s20 =	sshll.u32 s7, $0x1;
	s7 =	sadd.s32 s21, s5  }
0x9f: {  	[timem:s9], [sflag:s22] =	dma.local [hbm:s7], s20  }
0xa0: {  	_ =	swait.ge [sflag:s22], s20  }
0xa1: {  	s6 =	ssub.s32 $0x0, s20;
	[sflag:s22] =	ssyncset.done $0x0  }
0xa2: {  	[sflag:s22] =	ssyncadd.s32 s6;
	_ =	sdelay $0x1  }
0xa3: {  	s23 =	simm.s32 $0x1B8B  }
0xa4: {  	_ =	swait.ge [sflag:s23], $0x1  }
0xa5: {  	[sflag:s23] =	ssyncset.done $0x0  }
0xa6: {  	s25 =	simm.s32 $0x1B8E;
	s24 =	sld [smem:$0x3FFE];
	[sflag:s23] =	ssyncadd.s32 $0xFFFFFFFF  }
0xa7: {  	s26 =	simm.s32 $execute0_lowered;
	[smem:$0x3FD2] =	sst s25  }
0xa8: {  	s7 =	sshll.u32 s26, $0x1;
	_ =	strace $0x80000046;
	[dreg:$0x1] =	wrdreg $0xFFFFFFFF  }
0xa9: {  	s28 =	simm.s32 $_size_execute0_lowered;
	s5 =	sadd.s32 s5, s7;
	[dreg:$0x0] =	wrdreg $0x0  }
0xaa: {  	s7 =	sshll.u32 s28, $0x1;
	[dreg:$0x2] =	wrdreg s5  }
0xab: {  	[dreg:$0x3] =	wrdreg s7  }
0xac: {  	[dreg:$0x4] =	wrdreg $0xC0  }
0xad: {  	_ =	task [dreg:s9], $0x5FFFF  }
0xae: {  	[dreg:$0x1] =	wrdreg $0xFFFFFFFF  }
0xaf: {  	[dreg:$0x0] =	wrdreg $0x60  }
0xb0: {  	[dreg:$0x2] =	wrdreg s24  }
0xb1: {  	[dreg:$0x3] =	wrdreg s2  }
0xb2: {  	[dreg:$0x4] =	wrdreg s18  }
0xb3: {  	[dreg:$0x5] =	wrdreg s4  }
0xb4: {  	[dreg:$0x6] =	wrdreg $0x9  }
0xb5: {  	_ =	task.clear_ibuf [dreg:s9], $0x7FFFF;
	_ =	strace $0x90000046  }
0xb6: {  	s29 =	simm.s32 $0x9;
	_ =	strace $0x80000048  }
0xb7: {  	_ =	swait.ge [sflag:s29], $0x1  }
0xb8: {  	[sflag:s29] =	ssyncadd.s32 $0xFFFFFFFF  }
0xb9: {  	_ =	strace $0x90000048  }
0xba: {  	_ =	sfence  }
0xbb: {  	s30 =	sld [smem:$0x0];
	_ =	sdelay $0x2  }
0xbc: {  	s31 =	sshll.u32 s1, $0xD;
	s1 =	sshrl.u32 s1, $0x2  }
0xbd: {  	s3 =	sand.u32 $0x4000, s31;
	s1 =	sadd.s32 s1, s30  }
0xbe: {  	s0 =	sor.u32 s3, s0;
	s1 =	sshll.u32 s1, $0x11  }
0xbf: {  	s0 =	sor.u32 s1, s0  }
0xc0: {  	s0 =	sadd.s32 $0x8F2B, s0  }
0xc1: {  	[sflag:s0] =	ssyncadd.remote.s32 $0x1  }
0xc2: {  	_ =	sfence.sel $0xFFFF  }
0xc3: {  	[dreg:$0x0] =	wrdreg $0xFFFFFFFF;
	(pc) =	sbr.abs _section_cstart, $3  }
0xc4: {  	[dreg:$0x1] =	wrdreg $0xFFFFFFFF  }
0xc5: {  	_ =	task.clear_ibuf [dreg:s9], $0x2FFFF;
	_ =	strace $0x9FFFFFFF  }
0xc6: {  	(tm) =	ssettm $0x7FFFFFFF  }
0xc7: {  	_ =	shalt  }
tec
execute0_lowered:
.L_overlay_start_1:
0x0: {  	(tag) =	ssettag $0x1  }
0x1: {  	s5 =	rddreg [dreg:$0x0]  }
0x2: {  	s2 =	rddreg [dreg:$0x1]  }
0x3: {  	s3 =	rddreg [dreg:$0x2];
	s0 =	srdreg.scid  }
0x4: {  	s7 =	rddreg [dreg:$0x3];
	s1 =	stileid.u32;
	s4 =	simm.s32 $0x0  }
0x5: {  	s11 =	simm.s32 $0x2;
	s12 =	simm.s32 $0x100;
	s13 =	simm.s32 $0x4100  }
0x6: {  	s14 =	simm.s32 $0x3;
	s15 =	simm.s32 $0x0;
	s6 =	sand.u32 $0x1, s0  }
0x7: {  	s0 =	rddreg [dreg:$0x4];
	s8 =	sshll.u32 s1, $0x8;
	s9 =	sshll.u32 s6, $0x7  }
0x8: {  	[smem:$0x7FF] =	sst s4;
	s6 =	ssub.s32 $0x2, s6;
	s8 =	sor.u32 s9, s8  }
0x9: {  	_ =	strace $0x80000047;
	s10 =	sshrl.u32 s6, $0x1;
	s9 =	sshrl.u32 s8, $0x3  }
0xa: {  	s10 =	ssub.s32 s6, s10;
	s8 =	sshll.u32 s8, $0x4;
	s9 =	sadd.s32 s9, s5  }
0xb: {  	s7 =	sadd.s32 s7, s8;
	s8 =	smax.u32 s10, $0x1;
	s10 =	simm.s32 $0x1  }
0xc: {  	s5 =	sadd.s32 $0xA00, s9;
	s6 =	sadd.s32 $0xC00, s9;
	s9 =	simm.s32 $0x80  }
.LBB2_1:
0xd: {  	[tilespmem:s4], [sflag:$0x1] =	stream.linear.gather [hbm4b:s5+s4], $0x80, $0x38;
	[tilespmem:$0x8100] =	vst v63  }
0xe: {  	_ = 	snop  }
0xf: {  	[tilespmem:s9], [sflag:$0x2] =	stream.linear.gather [hbm4b:s6+s4], $0x80, $0x38;
	[tilespmem:$0x8100] =	vst v63  }
0x10: {  	_ =	swait.ge [sflag:s10], $0x80  }
0x11: {  	[sflag:s10] =	ssyncset.done $0x0  }
0x12: {  	[sflag:s10] =	ssyncadd.s32 $0xFFFFFF80  }
0x13: {  	_ =	swait.ge [sflag:s11], $0x80  }
0x14: {  	[sflag:s11] =	ssyncset.done $0x0  }
0x15: {  	[sflag:s11] =	ssyncadd.s32 $0xFFFFFF80  }
0x16: {  	[tilespmem:s12], [sflag:$0x1] =	stream.indirect.gather [hbm4b:s2+s9], $0x80, s4, s9, $0xb8;
	[tilespmem:$0x8100] =	vst v63  }
0x17: {  	_ = 	snop  }
0x18: {  	[tilespmem:s13], [sflag:$0x2] =	stream.indirect.gather [hbm4b:s3+s9], $0x80, s9, s9, $0xb8;
	[tilespmem:$0x8100] =	vst v63  }
0x19: {  	_ =	swait.ge [sflag:s10], $0x4000  }
0x1a: {  	[sflag:s10] =	ssyncset.done $0x0  }
0x1b: {  	[sflag:s10] =	ssyncadd.s32 $0xFFFFC000  }
0x1c: {  	_ =	swait.ge [sflag:s11], $0x4000  }
0x1d: {  	[sflag:s11] =	ssyncset.done $0x0  }
0x1e: {  	s16 =	simm.s32 $0x180;
	[sflag:s11] =	ssyncadd.s32 $0xFFFFC000  }
0x1f: {  	s21 =	simm.s32 $0x4180;
	v0 =	vld [tilespmem:s16+$0x0]  }
0x20: {  	v1 =	vld [tilespmem:s21+$0x0];
	_ =	sdelay $0x3  }
0x21: {  	v2 =	vld [tilespmem:s16+$0xFFFFFF80]  }
0x22: {  	v0 =	vadd.f32 v1, v0;
	v1 =	vld [tilespmem:s21+$0xFFFFFF80];
	_ =	sdelay $0x1  }
0x23: {  	[tilespmem:s16+$0x0] =	vst v0;
	v0 =	vld [tilespmem:s16+$0x10]  }
0x24: {  	v3 =	vld [tilespmem:s21+$0x10];
	_ =	sdelay $0x1  }
0x25: {  	v1 =	vadd.f32 v1, v2;
	_ =	sdelay $0x1  }
0x26: {  	v4 =	vld [tilespmem:s16+$0xFFFFFF90];
	[tilespmem:s16+$0xFFFFFF80] =	vst v1  }
0x27: {  	v0 =	vadd.f32 v3, v0;
	v1 =	vld [tilespmem:s21+$0xFFFFFF90];
	_ =	sdelay $0x1  }
0x28: {  	[tilespmem:s16+$0x10] =	vst v0;
	v0 =	vld [tilespmem:s16+$0x20]  }
0x29: {  	v3 =	vld [tilespmem:s21+$0x20]  }
0x2a: {  	v5 =	vld [tilespmem:s16+$0xFFFFFFB0]  }
0x2b: {  	s17 =	simm.s32 $0x280;
	v6 =	vld [tilespmem:s16+$0xFFFFFFD0];
	v1 =	vadd.f32 v1, v4  }
0x2c: {  	v7 =	vld [tilespmem:s17+$0x0]  }
0x2d: {  	v2 =	vld [tilespmem:s16+$0xFFFFFFA0];
	[tilespmem:s16+$0xFFFFFF90] =	vst v1  }
0x2e: {  	v0 =	vadd.f32 v3, v0;
	v1 =	vld [tilespmem:s21+$0xFFFFFFA0]  }
0x2f: {  	v8 =	vld [tilespmem:s16+$0xFFFFFFE0]  }
0x30: {  	[tilespmem:s16+$0x20] =	vst v0;
	v0 =	vld [tilespmem:s16+$0x30]  }
0x31: {  	s18 =	simm.s32 $0x4280;
	v3 =	vld [tilespmem:s21+$0x30]  }
0x32: {  	v10 =	vld [tilespmem:s18+$0xFFFFFF80]  }
0x33: {  	v1 =	vadd.f32 v1, v2;
	v2 =	vld [tilespmem:s18+$0x0]  }
0x34: {  	v12 =	vld [tilespmem:s17+$0xFFFFFF90]  }
0x35: {  	s20 =	simm.s32 $0x4380;
	v13 =	vld [tilespmem:s17+$0xFFFFFFD0]  }
0x36: {  	v15 =	vld [tilespmem:s20+$0xFFFFFF80];
	v0 =	vadd.f32 v3, v0  }
0x37: {  	[tilespmem:s16+$0xFFFFFFA0] =	vst v1;
	v1 =	vld [tilespmem:s16+$0x40]  }
0x38: {  	[tilespmem:s16+$0x30] =	vst v0;
	v2 =	vadd.f32 v2, v7;
	v7 =	vld [tilespmem:s17+$0xFFFFFF80]  }
0x39: {  	s19 =	simm.s32 $0x380;
	v9 =	vld [tilespmem:s21+$0x40]  }
0x3a: {  	v16 =	vld [tilespmem:s19+$0xFFFFFF80]  }
0x3b: {  	v3 =	vld [tilespmem:s21+$0xFFFFFFB0]  }
0x3c: {  	v17 =	vld [tilespmem:s17+$0x50]  }
0x3d: {  	[tilespmem:s17+$0x0] =	vst v2;
	v2 =	vld [tilespmem:s17+$0x10];
	v7 =	vadd.f32 v10, v7  }
0x3e: {  	v11 =	vld [tilespmem:s18+$0x10];
	v1 =	vadd.f32 v9, v1  }
0x3f: {  	v9 =	vld [tilespmem:s16+$0x50];
	[tilespmem:s17+$0xFFFFFF80] =	vst v7  }
0x40: {  	[tilespmem:s16+$0x40] =	vst v1;
	v1 =	vadd.f32 v3, v5;
	v5 =	vld [tilespmem:s18+$0xFFFFFF90]  }
0x41: {  	v3 =	vld [tilespmem:s21+$0x50]  }
0x42: {  	v60 =	vld [tilespmem:s19+$0xFFFFFFA0]  }
0x43: {  	v4 =	vld [tilespmem:s16+$0xFFFFFFC0];
	v2 =	vadd.f32 v11, v2;
	[tilespmem:s16+$0xFFFFFFB0] =	vst v1  }
0x44: {  	v1 =	vld [tilespmem:s21+$0xFFFFFFC0]  }
0x45: {  	[tilespmem:s17+$0x10] =	vst v2;
	v2 =	vld [tilespmem:s17+$0x20]  }
0x46: {  	v5 =	vadd.f32 v5, v12;
	v3 =	vadd.f32 v3, v9;
	v9 =	vld [tilespmem:s18+$0x20]  }
0x47: {  	v18 =	vld [tilespmem:s17+$0x60];
	v15 =	vadd.f32 v15, v16  }
0x48: {  	v10 =	vld [tilespmem:s17+$0xFFFFFFA0];
	[tilespmem:s17+$0xFFFFFF90] =	vst v5  }
0x49: {  	[tilespmem:s19+$0xFFFFFF80] =	vst v15;
	v1 =	vadd.f32 v1, v4;
	v4 =	vld [tilespmem:s18+$0xFFFFFFA0]  }
0x4a: {  	v15 =	vld [tilespmem:s20+$0xFFFFFF90]  }
0x4b: {  	v0 =	vld [tilespmem:s16+$0xFFFFFFF0];
	[tilespmem:s16+$0xFFFFFFC0] =	vst v1;
	v1 =	vadd.f32 v9, v2  }
0x4c: {  	v7 =	vld [tilespmem:s17+$0xFFFFFFB0]  }
0x4d: {  	v5 =	vld [tilespmem:s17+$0x30];
	[tilespmem:s17+$0x20] =	vst v1  }
0x4e: {  	v4 =	vadd.f32 v4, v10;
	v10 =	vld [tilespmem:s18+$0x30]  }
0x4f: {  	v2 =	vld [tilespmem:s21+$0xFFFFFFD0]  }
0x50: {  	v11 =	vld [tilespmem:s16+$0x60]  }
0x51: {  	v12 =	vld [tilespmem:s17+$0xFFFFFFC0];
	[tilespmem:s16+$0x50] =	vst v3  }
0x52: {  	v3 =	vld [tilespmem:s21+$0x60]  }
0x53: {  	[tilespmem:s17+$0xFFFFFFA0] =	vst v4;
	v4 =	vld [tilespmem:s19+$0x0];
	v5 =	vadd.f32 v10, v5  }
0x54: {  	v2 =	vadd.f32 v2, v6;
	v6 =	vld [tilespmem:s20+$0x0]  }
0x55: {  	v10 =	vld [tilespmem:s17+$0x40];
	[tilespmem:s17+$0x30] =	vst v5  }
0x56: {  	v5 =	vld [tilespmem:s18+$0x40]  }
0x57: {  	v9 =	vld [tilespmem:s16+$0x70];
	v3 =	vadd.f32 v3, v11  }
0x58: {  	v1 =	vld [tilespmem:s17+$0xFFFFFFE0]  }
0x59: {  	[tilespmem:s16+$0x60] =	vst v3;
	v3 =	vld [tilespmem:s18+$0xFFFFFFB0];
	v4 =	vadd.f32 v6, v4  }
0x5a: {  	v6 =	vld [tilespmem:s19+$0xFFFFFF90]  }
0x5b: {  	[tilespmem:s19+$0x0] =	vst v4;
	v4 =	vld [tilespmem:s19+$0x10];
	v5 =	vadd.f32 v5, v10  }
0x5c: {  	v10 =	vld [tilespmem:s20+$0x10]  }
0x5d: {  	v11 =	vld [tilespmem:s21+$0x70];
	[tilespmem:s17+$0x40] =	vst v5  }
0x5e: {  	v3 =	vadd.f32 v3, v7;
	v7 =	vld [tilespmem:s18+$0x50]  }
0x5f: {  	[tilespmem:s16+$0xFFFFFFD0] =	vst v2;
	v2 =	vld [tilespmem:s17+$0xFFFFFFF0]  }
0x60: {  	v14 =	vld [tilespmem:s21+$0xFFFFFFE0];
	[tilespmem:s17+$0xFFFFFFB0] =	vst v3;
	v6 =	vadd.f32 v15, v6  }
0x61: {  	v3 =	vadd.f32 v10, v4;
	v10 =	vld [tilespmem:s18+$0xFFFFFFC0]  }
0x62: {  	[tilespmem:s19+$0xFFFFFF90] =	vst v6;
	v6 =	vld [tilespmem:s19+$0xFFFFFFE0]  }
0x63: {  	v5 =	vld [tilespmem:s19+$0xFFFFFFB0];
	[tilespmem:s19+$0x10] =	vst v3;
	v3 =	vadd.f32 v7, v17  }
0x64: {  	v7 =	vld [tilespmem:s19+$0x20]  }
0x65: {  	v15 =	vld [tilespmem:s20+$0x20];
	[tilespmem:s17+$0x50] =	vst v3  }
0x66: {  	v10 =	vadd.f32 v10, v12;
	v12 =	vld [tilespmem:s18+$0x60]  }
0x67: {  	v61 =	vld [tilespmem:s20+$0xFFFFFFA0]  }
0x68: {  	v4 =	vld [tilespmem:s19+$0xFFFFFFC0];
	[tilespmem:s17+$0xFFFFFFC0] =	vst v10  }
0x69: {  	v10 =	vld [tilespmem:s18+$0xFFFFFFD0]  }
0x6a: {  	v3 =	vld [tilespmem:s19+$0xFFFFFFD0];
	v7 =	vadd.f32 v15, v7  }
0x6b: {  	v15 =	vld [tilespmem:s17+$0x70];
	v12 =	vadd.f32 v12, v18  }
0x6c: {  	[tilespmem:s19+$0x20] =	vst v7;
	v7 =	vadd.f32 v14, v8;
	v14 =	vld [tilespmem:s19+$0x30]  }
0x6d: {  	v8 =	vadd.f32 v61, v60;
	v62 =	vld [tilespmem:s20+$0x30];
	[tilespmem:s17+$0x60] =	vst v12  }
0x6e: {  	[tilespmem:s16+$0xFFFFFFE0] =	vst v7;
	v7 =	vadd.f32 v10, v13;
	v63 =	vld [tilespmem:s18+$0x70]  }
0x6f: {  	[tilespmem:s19+$0xFFFFFFA0] =	vst v8;
	v8 =	vld [tilespmem:s21+$0xFFFFFFF0]  }
0x70: {  	v12 =	vld [tilespmem:s20+$0xFFFFFFB0];
	[tilespmem:s17+$0xFFFFFFD0] =	vst v7  }
0x71: {  	v10 =	vadd.f32 v11, v9;
	v9 =	vld [tilespmem:s18+$0xFFFFFFE0]  }
0x72: {  	v7 =	vld [tilespmem:s19+$0xFFFFFFF0];
	v13 =	vadd.f32 v62, v14  }
0x73: {  	s22 =	simm.s32 $0x4;
	s23 =	simm.s32 $0x480;
	s21 =	simm.s32 $0x4380;
	[tilespmem:s16+$0x70] =	vst v10;
	v10 =	vld [tilespmem:s19+$0x40];
	v11 =	vadd.f32 v63, v15  }
.LBB2_2:
0x74: {  	v14 =	vld [tilespmem:s23+$0x0];
	[tilespmem:s19+$0x30] =	vst v13;
	s20 =	sadd.s32 $0x100, s20;
	v8 =	vadd.f32 v8, v0;
	v0 =	vmov v2  }
0x75: {  	v13 =	vld [tilespmem:s20+$0x0];
	v12 =	vadd.f32 v12, v5;
	[tilespmem:s17+$0x70] =	vst v11  }
0x76: {  	s22 =	sadd.s32 $0x2, s22;
	v5 =	vld [tilespmem:s21+$0x40];
	v9 =	vadd.f32 v9, v1;
	[tilespmem:s16+$0xFFFFFFF0] =	vst v8;
	v1 =	vmov v6;
	s16 =	smov.u32 s17;
	s17 =	smov.u32 s19  }
0x77: {  	p0 =	slt.u32 s22, $0x7E;
	s19 =	smov.u32 s23;
	v6 =	vld [tilespmem:s20+$0xFFFFFF80];
	[tilespmem:s17+$0xFFFFFFB0] =	vst v12;
	v2 =	vmov v7  }
0x78: {  	v7 =	vld [tilespmem:s23+$0xFFFFFF80];
	[tilespmem:s16+$0xFFFFFFE0] =	vst v9  }
0x79: {  	v8 =	vld [tilespmem:s23+$0xFFFFFF90]  }
0x7a: {  	v9 =	vld [tilespmem:s23+$0xFFFFFFA0];
	v11 =	vadd.f32 v13, v14  }
0x7b: {  	v5 =	vadd.f32 v5, v10;
	v10 =	vld [tilespmem:s17+$0x50]  }
0x7c: {  	[tilespmem:s23+$0x0] =	vst v11;
	v11 =	vld [tilespmem:s23+$0x10]  }
0x7d: {  	v6 =	vadd.f32 v6, v7;
	v7 =	vld [tilespmem:s20+$0x10];
	[tilespmem:s17+$0x40] =	vst v5  }
0x7e: {  	v12 =	vld [tilespmem:s21+$0x50]  }
0x7f: {  	[tilespmem:s23+$0xFFFFFF80] =	vst v6;
	v5 =	vld [tilespmem:s23+$0xFFFFFFB0]  }
0x80: {  	v6 =	vld [tilespmem:s20+$0xFFFFFF90]  }
0x81: {  	v13 =	vld [tilespmem:s21+$0xFFFFFFC0]  }
0x82: {  	v14 =	vld [tilespmem:s23+$0xFFFFFFC0];
	v7 =	vadd.f32 v7, v11  }
0x83: {  	v10 =	vadd.f32 v12, v10;
	v11 =	vld [tilespmem:s17+$0x60]  }
0x84: {  	[tilespmem:s23+$0x10] =	vst v7;
	v7 =	vld [tilespmem:s23+$0x20]  }
0x85: {  	v6 =	vadd.f32 v6, v8;
	v8 =	vld [tilespmem:s20+$0x20];
	[tilespmem:s17+$0x50] =	vst v10  }
0x86: {  	v10 =	vadd.f32 v13, v4;
	v12 =	vld [tilespmem:s21+$0x60]  }
0x87: {  	[tilespmem:s23+$0xFFFFFF90] =	vst v6;
	v13 =	vld [tilespmem:s23+$0xFFFFFFD0];
	v4 =	vmov v14  }
0x88: {  	v14 =	vld [tilespmem:s20+$0xFFFFFFA0];
	[tilespmem:s17+$0xFFFFFFC0] =	vst v10  }
0x89: {  	v10 =	vld [tilespmem:s21+$0xFFFFFFD0]  }
0x8a: {  	v6 =	vld [tilespmem:s23+$0xFFFFFFE0];
	v7 =	vadd.f32 v8, v7  }
0x8b: {  	v8 =	vadd.f32 v12, v11;
	v11 =	vld [tilespmem:s17+$0x70]  }
0x8c: {  	[tilespmem:s23+$0x20] =	vst v7;
	v15 =	vld [tilespmem:s23+$0x30]  }
0x8d: {  	v7 =	vadd.f32 v14, v9;
	v14 =	vld [tilespmem:s20+$0x30];
	[tilespmem:s17+$0x60] =	vst v8  }
0x8e: {  	v9 =	vadd.f32 v10, v3;
	v16 =	vld [tilespmem:s21+$0x70];
	v3 =	vmov v13  }
.Ltmp0:
0x8f: {  	[tilespmem:s23+$0xFFFFFFA0] =	vst v7;
	v8 =	vld [tilespmem:s18+$0xFFFFFFF0];
	s18 =	smov.u32 s21;
	s21 =	smov.u32 s20;
	(pc) =	sbr.rel @p0 .LBB2_2-.Ltmp0, $4  }
0x90: {  	v12 =	vld [tilespmem:s20+$0xFFFFFFB0];
	[tilespmem:s17+$0xFFFFFFD0] =	vst v9  }
0x91: {  	v9 =	vld [tilespmem:s18+$0xFFFFFFE0]  }
0x92: {  	v7 =	vld [tilespmem:s23+$0xFFFFFFF0];
	v13 =	vadd.f32 v14, v15  }
0x93: {  	s23 =	sadd.s32 $0x100, s23;
	v10 =	vld [tilespmem:s19+$0x40];
	v11 =	vadd.f32 v16, v11  }
0x94: {  	_ = 	snop  }
0x95: {  	v5 =	vadd.f32 v12, v5  }
0x96: {  	[tilespmem:s19+$0x30] =	vst v13  }
0x97: {  	v54 =	vld [tilespmem:s21+$0x40];
	[tilespmem:s19+$0xFFFFFFB0] =	vst v5  }
0x98: {  	v5 =	vld [tilespmem:s21+$0xFFFFFFC0];
	_ =	sdelay $0x3  }
0x99: {  	v10 =	vadd.f32 v54, v10  }
0x9a: {  	v4 =	vadd.f32 v5, v4  }
0x9b: {  	v55 =	vld [tilespmem:s19+$0x50];
	[tilespmem:s19+$0x40] =	vst v10  }
0x9c: {  	v56 =	vld [tilespmem:s21+$0x50];
	[tilespmem:s19+$0xFFFFFFC0] =	vst v4  }
0x9d: {  	v4 =	vld [tilespmem:s21+$0xFFFFFFD0];
	_ =	sdelay $0x3  }
0x9e: {  	v5 =	vadd.f32 v56, v55  }
0x9f: {  	v3 =	vadd.f32 v4, v3  }
0xa0: {  	v57 =	vld [tilespmem:s19+$0x60];
	[tilespmem:s19+$0x50] =	vst v5  }
0xa1: {  	v58 =	vld [tilespmem:s21+$0x60];
	[tilespmem:s19+$0xFFFFFFD0] =	vst v3  }
0xa2: {  	v3 =	vld [tilespmem:s21+$0xFFFFFFE0];
	_ =	sdelay $0x2  }
0xa3: {  	v1 =	vadd.f32 v9, v1  }
0xa4: {  	v4 =	vadd.f32 v58, v57  }
0xa5: {  	v59 =	vld [tilespmem:s19+$0x70];
	[tilespmem:s17+$0xFFFFFFE0] =	vst v1;
	v3 =	vadd.f32 v3, v6  }
0xa6: {  	v61 =	vld [tilespmem:s18+$0xFFFFFFF0];
	[tilespmem:s19+$0x60] =	vst v4  }
0xa7: {  	v60 =	vld [tilespmem:s21+$0x70];
	[tilespmem:s19+$0xFFFFFFE0] =	vst v3  }
0xa8: {  	v3 =	vld [tilespmem:s21+$0xFFFFFFF0];
	_ =	sdelay $0x1  }
0xa9: {  	v0 =	vadd.f32 v8, v0  }
0xaa: {  	[tilespmem:s17+$0x70] =	vst v11;
	v62 =	vadd.f32 v61, v2  }
0xab: {  	[tilespmem:s16+$0xFFFFFFF0] =	vst v0;
	v1 =	vadd.f32 v60, v59  }
0xac: {  	s15 =	sadd.s32 $0x1, s15;
	[tilespmem:s17+$0xFFFFFFF0] =	vst v62;
	v63 =	vadd.f32 v3, v7  }
0xad: {  	p0 =	sne.s32 s15, s8;
	[tilespmem:s19+$0x70] =	vst v1  }
.Ltmp1:
0xae: {  	[tilespmem:s19+$0xFFFFFFF0] =	vst v63;
	(pc) =	sbr.rel @p0 .LBB2_1-.Ltmp1, $4  }
0xaf: {  	[hbm4b:s7+s4] =	stream.linear.scatter [tilespmem:s12], [sflag:$0x3], $0x4000, $0x38;
	[tilespmem:$0x8100] =	vst v63  }
0xb0: {  	_ =	swait.ge [sflag:s14], $0x4000  }
0xb1: {  	[sflag:s14] =	ssyncset.done $0x0  }
0xb2: {  	[sflag:s14] =	ssyncadd.s32 $0xFFFFC000  }
0xb3: {  	_ =	sfence.sel $0x180000  }
0xb4: {  	[bflag:$0x0] =	sbarrier.arrive $0xFFFF  }
0xb5: {  	p0 =	sne.s32 s1, $0x0;
	_ =	strace $0x90000047  }
0xb6: {  	s0 =	sadd.s32 @!p0 $0x100000, s0;
	[bflag:$0x2] =	sbarrier.arrive $0xFFFF  }
0xb7: {  	[sflag:s0] =	ssyncadd.tile.s32 @!p0 $0x1;
	_ =	shalt  }
.Lfunc_end2:
_tile_overlayer_lowered:
.L_overlay_start_2:
0xb8: {  	(tag) =	ssettag $0x2  }
0xb9: {  	s0 =	rddreg [dreg:$0x0];
	s2 =	stileid.u32  }
0xba: {  	s1 =	rddreg [dreg:$0x1];
	p0 =	sne.s32 s2, $0x0  }
0xbb: {  	s3 =	rddreg [dreg:$0x2];
	[bflag:$0x3] =	sbarrier.arrive $0xFFFF;
	s2 =	simm.s32 @!p0 $0x1C03  }
0xbc: {  	[timem:s3], [sflag:s2] =	dma.local @!p0 [hbm:s0], s1  }
0xbd: {  	s0 =	simm.s32 @!p0 $0x3  }
0xbe: {  	_ =	swait.ge @!p0 [sflag:s0], s1  }
0xbf: {  	s1 =	ssub.s32 @!p0 $0x0, s1;
	[sflag:s0] =	ssyncset.done @!p0 $0x0  }
0xc0: {  	[sflag:s0] =	ssyncadd.s32 @!p0 s1  }
0xc1: {  	[bflag:$0x3] =	sbarrier.arrive $0xFFFF  }
0xc2: {  	_ =	shalt  }

</sc_bundles>
